<compile_context>
chip_gen: v7x
topology: tpu7x:2x2x1
jax: 0.10.2.dev20260603
libtpu: 0.0.44.dev20260713+nightly
codegen_flags: <defaults>
</compile_context>

<pallas_src>
import functools

import jax
import jax.numpy as jnp
from jax import lax
from jax.experimental import pallas as pl
from jax.experimental.pallas import tpu as pltpu
from jax.experimental.pallas import tpu_sc as plsc

B = 4096
D = 128
L = 100000
K = 5

B_BLK = 1024
L_BLK = 10000
N_LBLK = L // L_BLK
DIAG_CH = 128


def _count_body(pred_ref, g_ref, lbl_ref, lab_ref, out_ref, t_ref, tm_ref):
    j = pl.program_id(1)

    @pl.when(j == 0)
    def _init():
        ii = lax.broadcasted_iota(jnp.int32, (DIAG_CH, DIAG_CH), 0)
        jj = lax.broadcasted_iota(jnp.int32, (DIAG_CH, DIAG_CH), 1)
        parts = []
        for c in range(B_BLK // DIAG_CH):
            ddc = lax.dot_general(
                pred_ref[c * DIAG_CH:(c + 1) * DIAG_CH, :],
                g_ref[c * DIAG_CH:(c + 1) * DIAG_CH, :],
                dimension_numbers=(((1,), (1,)), ((), ())),
                preferred_element_type=jnp.float32,
            )
            parts.append(jnp.sum(jnp.where(ii == jj, ddc, 0.0),
                                 axis=1, keepdims=True))
        t = jnp.concatenate(parts, axis=0)
        tb = lax.bitcast_convert_type(t, jnp.int32)
        tmb = jnp.where(t > 0, tb - 1,
                        jnp.where(t < 0, tb + 1, jnp.int32(-2147483647)))
        t_ref[...] = t
        tm_ref[...] = lax.bitcast_convert_type(tmb, jnp.float32)

    s = lax.dot_general(
        pred_ref[...], lab_ref[...],
        dimension_numbers=(((1,), (1,)), ((), ())),
        preferred_element_type=jnp.float32,
    )
    lbl = lbl_ref[...]
    col = j * L_BLK + lax.broadcasted_iota(jnp.int32, (B_BLK, L_BLK), 1)
    thr = jnp.where(col < lbl, tm_ref[...], t_ref[...])
    c = jnp.sum((s > thr).astype(jnp.float32), axis=1, keepdims=True)
    tot = jnp.where(j == 0, c, out_ref[...] + c)
    out_ref[...] = jnp.where(j == N_LBLK - 1, (tot < K).astype(jnp.float32), tot)


def _count_correct(pred, g, labels, lab_emb, interpret=False):
    return pl.pallas_call(
        _count_body,
        grid=(B // B_BLK, N_LBLK),
        in_specs=[
            pl.BlockSpec((B_BLK, D), lambda i, j: (i, 0)),
            pl.BlockSpec((B_BLK, D), lambda i, j: (i, 0)),
            pl.BlockSpec((B_BLK, 1), lambda i, j: (i, 0)),
            pl.BlockSpec((L_BLK, D), lambda i, j: (j, 0)),
        ],
        out_specs=pl.BlockSpec((B_BLK, 1), lambda i, j: (i, 0)),
        out_shape=jax.ShapeDtypeStruct((B, 1), jnp.float32),
        scratch_shapes=[
            pltpu.VMEM((B_BLK, 1), jnp.float32),
            pltpu.VMEM((B_BLK, 1), jnp.float32),
        ],
        compiler_params=pltpu.CompilerParams(
            dimension_semantics=("parallel", "arbitrary")),
        interpret=interpret,
    )(pred, g, labels.reshape(B, 1).astype(jnp.int32), lab_emb)


_INFO = plsc.get_sparse_core_info()
_NW = _INFO.num_cores * _INFO.num_subcores
_BPW = B // _NW


@functools.partial(
    pl.kernel,
    mesh=plsc.VectorSubcoreMesh(core_axis_name="c", subcore_axis_name="s"),
    out_type=jax.ShapeDtypeStruct((B, D), jnp.float32),
    scratch_types=[
        pltpu.VMEM((_BPW,), jnp.int32),
        pltpu.VMEM((_BPW, D), jnp.float32),
        pltpu.SemaphoreType.DMA,
    ],
)
def _sc_gather(table_hbm, idx_hbm, out_hbm, idx_v, rows_v, sem):
    wid = lax.axis_index("s") * _INFO.num_cores + lax.axis_index("c")
    base = wid * _BPW
    pltpu.sync_copy(idx_hbm.at[pl.ds(base, _BPW)], idx_v)
    pltpu.async_copy(table_hbm.at[idx_v], rows_v, sem).wait()
    pltpu.sync_copy(rows_v, out_hbm.at[pl.ds(base, _BPW)])


def kernel(predicted_embeddings, true_labels, label_embeddings):
    g = _sc_gather(label_embeddings, true_labels)
    correct = _count_correct(predicted_embeddings, g, true_labels,
                             label_embeddings)
    return jnp.mean(correct)

# --- scband reference (transcript-rebuilt; emitter-appended) ---
"""Pipeline reference for scband-top-khorizon-accuracy-39187281609292 (READ-ONLY COPY).

The authoritative reference and input builder live on the scoring server;
editing this copy changes nothing except your own understanding.
"""

import jax, jax.numpy as jnp
import numpy as np

NUM_LABELS = 100000
EMBED_DIM = 128
BATCH = 4096
K = 5


def setup_inputs(seed: int = 0) -> dict:
    key = jax.random.key(seed)
    k1, k2, k3 = jax.random.split(key, 3)
    predicted_embeddings = jax.random.normal(k1, (BATCH, EMBED_DIM), dtype=jnp.float32)
    true_labels = jax.random.randint(k2, (BATCH,), 0, NUM_LABELS, dtype=jnp.int64 if jax.config.jax_enable_x64 else jnp.int32)
    label_embeddings = jax.random.normal(k3, (NUM_LABELS, EMBED_DIM), dtype=jnp.float32)
    return {
        "predicted_embeddings": predicted_embeddings,
        "true_labels": true_labels,
        "label_embeddings": label_embeddings,
    }


def reference(predicted_embeddings, true_labels, label_embeddings):
    # similarity = predicted @ label_embeddings.T  -> (B, num_labels)
    similarity = jnp.matmul(predicted_embeddings, label_embeddings.T)
    # top-k indices along label dim
    _, top_k_indices = jax.lax.top_k(similarity, K)
    # check if the true label appears among the top-k retrieved labels
    correct = jnp.any(top_k_indices == true_labels[:, None], axis=1)
    accuracy = jnp.mean(correct.astype(jnp.float32))
    return accuracy

if __name__ == "__main__":
    import jax
    _d = setup_inputs()
    print(jax.jit(kernel)(*tuple(_d.values())))

</pallas_src>

<mosaic_0001>
#map = affine_map<(d0, d1) -> (0, 0)>
#map1 = affine_map<(d0, d1) -> (0)>
module attributes {stable_mosaic.version = 14 : i64} {
  func.func @_sc_gather(%arg0: i32, %arg1: i32, %arg2: memref<100000x128xf32, #tpu.memory_space<hbm>>, %arg3: memref<4096xi32, #tpu.memory_space<hbm>>, %arg4: memref<4096x128xf32, #tpu.memory_space<hbm>>, %arg5: memref<128xi32, #tpu.memory_space<vmem>>, %arg6: memref<128x128xf32, #tpu.memory_space<vmem>>, %arg7: memref<!tpu.dma_semaphore, #tpu.memory_space<semaphore_mem>>) attributes {dimension_semantics = [#tpu.dimension_semantics<core_parallel>, #tpu.dimension_semantics<subcore_parallel>], iteration_bounds = array<i64: 2, 16>, scalar_prefetch = 0 : i64, scratch_operands = 3 : i64, tpu.core_type = #tpu.core_type<sc_vector_subcore>, window_params = [{transform_indices = #map}, {transform_indices = #map1}, {transform_indices = #map}]} {
    %mul3A = arith.constant 2 : i32
    %mul3A_0 = arith.muli %arg1, %mul3A : i32
    %add3A = arith.addi %mul3A_0, %arg0 : i32
    %mul3A_1 = arith.constant 128 : i32
    %mul3A_2 = arith.muli %add3A, %mul3A_1 : i32
    "tpu.region"() ({
      %run_scoped3A = tpu.sem_alloc : memref<!tpu.dma_semaphore, #tpu.memory_space<semaphore_mem>>
      %dma_start3A_7 = tpu.memref_slice %arg3[%mul3A_2] : memref<4096xi32, #tpu.memory_space<hbm>> -> memref<128xi32, #tpu.memory_space<hbm>>
      %dma_start3A_8 = tpu.memref_slice %arg3[%mul3A_2] : memref<4096xi32, #tpu.memory_space<hbm>> -> memref<128xi32, #tpu.memory_space<hbm>>
      tpu.enqueue_dma source(%dma_start3A_8 : memref<128xi32, #tpu.memory_space<hbm>>) target(%arg5 : memref<128xi32, #tpu.memory_space<vmem>>) target_semaphore(%run_scoped3A : memref<!tpu.dma_semaphore, #tpu.memory_space<semaphore_mem>>)
      %dma_wait3A_9 = tpu.memref_slice %arg3[%mul3A_2] : memref<4096xi32, #tpu.memory_space<hbm>> -> memref<128xi32, #tpu.memory_space<hbm>>
      %dma_wait3A_10 = tpu.memref_slice %arg3[%mul3A_2] : memref<4096xi32, #tpu.memory_space<hbm>> -> memref<128xi32, #tpu.memory_space<hbm>>
      tpu.wait_dma2 semaphore(%run_scoped3A : memref<!tpu.dma_semaphore, #tpu.memory_space<semaphore_mem>>) src(%dma_wait3A_10 : memref<128xi32, #tpu.memory_space<hbm>>) dst(%arg5 : memref<128xi32, #tpu.memory_space<vmem>>)
      tpu.yield
    }) : () -> ()
    %dma_start3A = arith.constant 0 : i32
    %dma_start3A_3 = arith.constant 0 : i32
    %dma_start3A_4 = tpu.memref_slice %arg2[%dma_start3A, %dma_start3A_3] : memref<100000x128xf32, #tpu.memory_space<hbm>> -> memref<100000x128xf32, #tpu.memory_space<hbm>>
    tpu.enqueue_indirect_dma source(%dma_start3A_4 : memref<100000x128xf32, #tpu.memory_space<hbm>>) target(%arg6 : memref<128x128xf32, #tpu.memory_space<vmem>>) offsets(%arg5 : memref<128xi32, #tpu.memory_space<vmem>>) semaphore(%arg7 : memref<!tpu.dma_semaphore, #tpu.memory_space<semaphore_mem>>)
    %dma_wait3A = arith.constant 0 : i32
    %dma_wait3A_5 = arith.constant 0 : i32
    %dma_wait3A_6 = tpu.memref_slice %arg2[%dma_wait3A, %dma_wait3A_5] : memref<100000x128xf32, #tpu.memory_space<hbm>> -> memref<100000x128xf32, #tpu.memory_space<hbm>>
    tpu.wait_indirect_dma semaphore(%arg7 : memref<!tpu.dma_semaphore, #tpu.memory_space<semaphore_mem>>) src(%dma_wait3A_6 : memref<100000x128xf32, #tpu.memory_space<hbm>>) dst(%arg6 : memref<128x128xf32, #tpu.memory_space<vmem>>)
    "tpu.region"() ({
      %run_scoped3A = tpu.sem_alloc : memref<!tpu.dma_semaphore, #tpu.memory_space<semaphore_mem>>
      %dma_start3A_7 = arith.constant 0 : i32
      %dma_start3A_8 = tpu.memref_slice %arg4[%mul3A_2, %dma_start3A_7] : memref<4096x128xf32, #tpu.memory_space<hbm>> -> memref<128x128xf32, #tpu.memory_space<hbm>>
      %dma_start3A_9 = arith.constant 0 : i32
      %dma_start3A_10 = tpu.memref_slice %arg4[%mul3A_2, %dma_start3A_9] : memref<4096x128xf32, #tpu.memory_space<hbm>> -> memref<128x128xf32, #tpu.memory_space<hbm>>
      tpu.enqueue_dma source(%arg6 : memref<128x128xf32, #tpu.memory_space<vmem>>) target(%dma_start3A_10 : memref<128x128xf32, #tpu.memory_space<hbm>>) target_semaphore(%run_scoped3A : memref<!tpu.dma_semaphore, #tpu.memory_space<semaphore_mem>>)
      %dma_wait3A_11 = arith.constant 0 : i32
      %dma_wait3A_12 = tpu.memref_slice %arg4[%mul3A_2, %dma_wait3A_11] : memref<4096x128xf32, #tpu.memory_space<hbm>> -> memref<128x128xf32, #tpu.memory_space<hbm>>
      %dma_wait3A_13 = arith.constant 0 : i32
      %dma_wait3A_14 = tpu.memref_slice %arg4[%mul3A_2, %dma_wait3A_13] : memref<4096x128xf32, #tpu.memory_space<hbm>> -> memref<128x128xf32, #tpu.memory_space<hbm>>
      tpu.wait_dma2 semaphore(%run_scoped3A : memref<!tpu.dma_semaphore, #tpu.memory_space<semaphore_mem>>) src(%arg6 : memref<128x128xf32, #tpu.memory_space<vmem>>) dst(%dma_wait3A_14 : memref<128x128xf32, #tpu.memory_space<hbm>>)
      tpu.yield
    }) : () -> ()
    return
  }
}

module attributes {stable_mosaic.version = 14 : i64} {
  func.func @_count_body(%arg0: i32, %arg1: i32, %arg2: memref<1024x128xf32, #tpu.memory_space<vmem>>, %arg3: memref<1024x128xf32, #tpu.memory_space<vmem>>, %arg4: memref<1024x1xi32, #tpu.memory_space<vmem>>, %arg5: memref<10000x128xf32, #tpu.memory_space<vmem>>, %arg6: memref<1024x1xf32, #tpu.memory_space<vmem>>, %arg7: memref<1024x1xf32, #tpu.memory_space<vmem>>, %arg8: memref<1024x1xf32, #tpu.memory_space<vmem>>) attributes {dimension_semantics = [#tpu.dimension_semantics<parallel>, #tpu.dimension_semantics<arbitrary>], iteration_bounds = array<i64: 4, 10>, scalar_prefetch = 0 : i64, scratch_operands = 2 : i64, tpu.core_type = #tpu.core_type<tc>, window_params = [{transform_indices = @transform_0, window_bounds = array<i64: 1024, 128>}, {transform_indices = @transform_1, window_bounds = array<i64: 1024, 128>}, {transform_indices = @transform_2, window_bounds = array<i64: 1024, 1>}, {transform_indices = @transform_3, window_bounds = array<i64: 10000, 128>}, {transform_indices = @transform_4, window_bounds = array<i64: 1024, 1>}]} {
    %eq3A = arith.constant 0 : i32
    %eq3A_0 = arith.cmpi eq, %arg1, %eq3A : i32
    %convert_element_type3A = arith.extui %eq3A_0 : i1 to i32
    %cond3A = arith.constant 0 : i32
    %cond3A_1 = arith.cmpi ne, %convert_element_type3A, %cond3A : i32
    scf.if %cond3A_1 {
      %iota3A_44 = tpu.iota {dimensions = array<i32: 0>} : vector<128x128xi32>
      %iota3A_45 = tpu.iota {dimensions = array<i32: 1>} : vector<128x128xi32>
      %get3A_46 = arith.constant 0 : index
      %get3A_47 = arith.constant 0 : index
      %get3A_48 = vector.load %arg2[%get3A_46, %get3A_47] : memref<1024x128xf32, #tpu.memory_space<vmem>>, vector<128x128xf32>
      %get3A_49 = arith.constant 0 : index
      %get3A_50 = arith.constant 0 : index
      %get3A_51 = vector.load %arg3[%get3A_49, %get3A_50] : memref<1024x128xf32, #tpu.memory_space<vmem>>, vector<128x128xf32>
      %dot_general3A_52 = arith.constant dense<0.000000e+00> : vector<128x128xf32>
      %dot_general3A_53 = tpu.matmul %get3A_48, %get3A_51, %dot_general3A_52 {dimension_numbers = #tpu.dot_dimension_numbers<[1], [1], [0], [0], [0, 0, 1, 0], [], []>, transpose_lhs_hint = false} : vector<128x128xf32>, vector<128x128xf32>, vector<128x128xf32> -> vector<128x128xf32>
      %eq3A_54 = arith.cmpi eq, %iota3A_44, %iota3A_45 : vector<128x128xi32>
      %jit3A = arith.constant 0.000000e+00 : f32
      %broadcast_in_dim3A_55 = vector.broadcast %jit3A : f32 to vector<128x128xf32>
      %select_n3A_56 = arith.select %eq3A_54, %dot_general3A_53, %broadcast_in_dim3A_55 : vector<128x128xi1>, vector<128x128xf32>
      %reduce_sum3A_57 = arith.constant dense<0.000000e+00> : vector<128xf32>
      %reduce_sum3A_58 = vector.multi_reduction <add>, %select_n3A_56, %reduce_sum3A_57 [1] : vector<128x128xf32> to vector<128xf32>
      %broadcast_in_dim3A_59 = vector.shape_cast %reduce_sum3A_58 : vector<128xf32> to vector<128x1xf32>
      %get3A_60 = arith.constant 128 : index
      %get3A_61 = arith.constant 0 : index
      %get3A_62 = vector.load %arg2[%get3A_60, %get3A_61] : memref<1024x128xf32, #tpu.memory_space<vmem>>, vector<128x128xf32>
      %get3A_63 = arith.constant 128 : index
      %get3A_64 = arith.constant 0 : index
      %get3A_65 = vector.load %arg3[%get3A_63, %get3A_64] : memref<1024x128xf32, #tpu.memory_space<vmem>>, vector<128x128xf32>
      %dot_general3A_66 = arith.constant dense<0.000000e+00> : vector<128x128xf32>
      %dot_general3A_67 = tpu.matmul %get3A_62, %get3A_65, %dot_general3A_66 {dimension_numbers = #tpu.dot_dimension_numbers<[1], [1], [0], [0], [0, 0, 1, 0], [], []>, transpose_lhs_hint = false} : vector<128x128xf32>, vector<128x128xf32>, vector<128x128xf32> -> vector<128x128xf32>
      %eq3A_68 = arith.cmpi eq, %iota3A_44, %iota3A_45 : vector<128x128xi32>
      %jit3A_69 = arith.constant 0.000000e+00 : f32
      %broadcast_in_dim3A_70 = vector.broadcast %jit3A_69 : f32 to vector<128x128xf32>
      %select_n3A_71 = arith.select %eq3A_68, %dot_general3A_67, %broadcast_in_dim3A_70 : vector<128x128xi1>, vector<128x128xf32>
      %reduce_sum3A_72 = arith.constant dense<0.000000e+00> : vector<128xf32>
      %reduce_sum3A_73 = vector.multi_reduction <add>, %select_n3A_71, %reduce_sum3A_72 [1] : vector<128x128xf32> to vector<128xf32>
      %broadcast_in_dim3A_74 = vector.shape_cast %reduce_sum3A_73 : vector<128xf32> to vector<128x1xf32>
      %get3A_75 = arith.constant 256 : index
      %get3A_76 = arith.constant 0 : index
      %get3A_77 = vector.load %arg2[%get3A_75, %get3A_76] : memref<1024x128xf32, #tpu.memory_space<vmem>>, vector<128x128xf32>
      %get3A_78 = arith.constant 256 : index
      %get3A_79 = arith.constant 0 : index
      %get3A_80 = vector.load %arg3[%get3A_78, %get3A_79] : memref<1024x128xf32, #tpu.memory_space<vmem>>, vector<128x128xf32>
      %dot_general3A_81 = arith.constant dense<0.000000e+00> : vector<128x128xf32>
      %dot_general3A_82 = tpu.matmul %get3A_77, %get3A_80, %dot_general3A_81 {dimension_numbers = #tpu.dot_dimension_numbers<[1], [1], [0], [0], [0, 0, 1, 0], [], []>, transpose_lhs_hint = false} : vector<128x128xf32>, vector<128x128xf32>, vector<128x128xf32> -> vector<128x128xf32>
      %eq3A_83 = arith.cmpi eq, %iota3A_44, %iota3A_45 : vector<128x128xi32>
      %jit3A_84 = arith.constant 0.000000e+00 : f32
      %broadcast_in_dim3A_85 = vector.broadcast %jit3A_84 : f32 to vector<128x128xf32>
      %select_n3A_86 = arith.select %eq3A_83, %dot_general3A_82, %broadcast_in_dim3A_85 : vector<128x128xi1>, vector<128x128xf32>
      %reduce_sum3A_87 = arith.constant dense<0.000000e+00> : vector<128xf32>
      %reduce_sum3A_88 = vector.multi_reduction <add>, %select_n3A_86, %reduce_sum3A_87 [1] : vector<128x128xf32> to vector<128xf32>
      %broadcast_in_dim3A_89 = vector.shape_cast %reduce_sum3A_88 : vector<128xf32> to vector<128x1xf32>
      %get3A_90 = arith.constant 384 : index
      %get3A_91 = arith.constant 0 : index
      %get3A_92 = vector.load %arg2[%get3A_90, %get3A_91] : memref<1024x128xf32, #tpu.memory_space<vmem>>, vector<128x128xf32>
      %get3A_93 = arith.constant 384 : index
      %get3A_94 = arith.constant 0 : index
      %get3A_95 = vector.load %arg3[%get3A_93, %get3A_94] : memref<1024x128xf32, #tpu.memory_space<vmem>>, vector<128x128xf32>
      %dot_general3A_96 = arith.constant dense<0.000000e+00> : vector<128x128xf32>
      %dot_general3A_97 = tpu.matmul %get3A_92, %get3A_95, %dot_general3A_96 {dimension_numbers = #tpu.dot_dimension_numbers<[1], [1], [0], [0], [0, 0, 1, 0], [], []>, transpose_lhs_hint = false} : vector<128x128xf32>, vector<128x128xf32>, vector<128x128xf32> -> vector<128x128xf32>
      %eq3A_98 = arith.cmpi eq, %iota3A_44, %iota3A_45 : vector<128x128xi32>
      %jit3A_99 = arith.constant 0.000000e+00 : f32
      %broadcast_in_dim3A_100 = vector.broadcast %jit3A_99 : f32 to vector<128x128xf32>
      %select_n3A_101 = arith.select %eq3A_98, %dot_general3A_97, %broadcast_in_dim3A_100 : vector<128x128xi1>, vector<128x128xf32>
      %reduce_sum3A_102 = arith.constant dense<0.000000e+00> : vector<128xf32>
      %reduce_sum3A_103 = vector.multi_reduction <add>, %select_n3A_101, %reduce_sum3A_102 [1] : vector<128x128xf32> to vector<128xf32>
      %broadcast_in_dim3A_104 = vector.shape_cast %reduce_sum3A_103 : vector<128xf32> to vector<128x1xf32>
      %get3A_105 = arith.constant 512 : index
      %get3A_106 = arith.constant 0 : index
      %get3A_107 = vector.load %arg2[%get3A_105, %get3A_106] : memref<1024x128xf32, #tpu.memory_space<vmem>>, vector<128x128xf32>
      %get3A_108 = arith.constant 512 : index
      %get3A_109 = arith.constant 0 : index
      %get3A_110 = vector.load %arg3[%get3A_108, %get3A_109] : memref<1024x128xf32, #tpu.memory_space<vmem>>, vector<128x128xf32>
      %dot_general3A_111 = arith.constant dense<0.000000e+00> : vector<128x128xf32>
      %dot_general3A_112 = tpu.matmul %get3A_107, %get3A_110, %dot_general3A_111 {dimension_numbers = #tpu.dot_dimension_numbers<[1], [1], [0], [0], [0, 0, 1, 0], [], []>, transpose_lhs_hint = false} : vector<128x128xf32>, vector<128x128xf32>, vector<128x128xf32> -> vector<128x128xf32>
      %eq3A_113 = arith.cmpi eq, %iota3A_44, %iota3A_45 : vector<128x128xi32>
      %jit3A_114 = arith.constant 0.000000e+00 : f32
      %broadcast_in_dim3A_115 = vector.broadcast %jit3A_114 : f32 to vector<128x128xf32>
      %select_n3A_116 = arith.select %eq3A_113, %dot_general3A_112, %broadcast_in_dim3A_115 : vector<128x128xi1>, vector<128x128xf32>
      %reduce_sum3A_117 = arith.constant dense<0.000000e+00> : vector<128xf32>
      %reduce_sum3A_118 = vector.multi_reduction <add>, %select_n3A_116, %reduce_sum3A_117 [1] : vector<128x128xf32> to vector<128xf32>
      %broadcast_in_dim3A_119 = vector.shape_cast %reduce_sum3A_118 : vector<128xf32> to vector<128x1xf32>
      %get3A_120 = arith.constant 640 : index
      %get3A_121 = arith.constant 0 : index
      %get3A_122 = vector.load %arg2[%get3A_120, %get3A_121] : memref<1024x128xf32, #tpu.memory_space<vmem>>, vector<128x128xf32>
      %get3A_123 = arith.constant 640 : index
      %get3A_124 = arith.constant 0 : index
      %get3A_125 = vector.load %arg3[%get3A_123, %get3A_124] : memref<1024x128xf32, #tpu.memory_space<vmem>>, vector<128x128xf32>
      %dot_general3A_126 = arith.constant dense<0.000000e+00> : vector<128x128xf32>
      %dot_general3A_127 = tpu.matmul %get3A_122, %get3A_125, %dot_general3A_126 {dimension_numbers = #tpu.dot_dimension_numbers<[1], [1], [0], [0], [0, 0, 1, 0], [], []>, transpose_lhs_hint = false} : vector<128x128xf32>, vector<128x128xf32>, vector<128x128xf32> -> vector<128x128xf32>
      %eq3A_128 = arith.cmpi eq, %iota3A_44, %iota3A_45 : vector<128x128xi32>
      %jit3A_129 = arith.constant 0.000000e+00 : f32
      %broadcast_in_dim3A_130 = vector.broadcast %jit3A_129 : f32 to vector<128x128xf32>
      %select_n3A_131 = arith.select %eq3A_128, %dot_general3A_127, %broadcast_in_dim3A_130 : vector<128x128xi1>, vector<128x128xf32>
      %reduce_sum3A_132 = arith.constant dense<0.000000e+00> : vector<128xf32>
      %reduce_sum3A_133 = vector.multi_reduction <add>, %select_n3A_131, %reduce_sum3A_132 [1] : vector<128x128xf32> to vector<128xf32>
      %broadcast_in_dim3A_134 = vector.shape_cast %reduce_sum3A_133 : vector<128xf32> to vector<128x1xf32>
      %get3A_135 = arith.constant 768 : index
      %get3A_136 = arith.constant 0 : index
      %get3A_137 = vector.load %arg2[%get3A_135, %get3A_136] : memref<1024x128xf32, #tpu.memory_space<vmem>>, vector<128x128xf32>
      %get3A_138 = arith.constant 768 : index
      %get3A_139 = arith.constant 0 : index
      %get3A_140 = vector.load %arg3[%get3A_138, %get3A_139] : memref<1024x128xf32, #tpu.memory_space<vmem>>, vector<128x128xf32>
      %dot_general3A_141 = arith.constant dense<0.000000e+00> : vector<128x128xf32>
      %dot_general3A_142 = tpu.matmul %get3A_137, %get3A_140, %dot_general3A_141 {dimension_numbers = #tpu.dot_dimension_numbers<[1], [1], [0], [0], [0, 0, 1, 0], [], []>, transpose_lhs_hint = false} : vector<128x128xf32>, vector<128x128xf32>, vector<128x128xf32> -> vector<128x128xf32>
      %eq3A_143 = arith.cmpi eq, %iota3A_44, %iota3A_45 : vector<128x128xi32>
      %jit3A_144 = arith.constant 0.000000e+00 : f32
      %broadcast_in_dim3A_145 = vector.broadcast %jit3A_144 : f32 to vector<128x128xf32>
      %select_n3A_146 = arith.select %eq3A_143, %dot_general3A_142, %broadcast_in_dim3A_145 : vector<128x128xi1>, vector<128x128xf32>
      %reduce_sum3A_147 = arith.constant dense<0.000000e+00> : vector<128xf32>
      %reduce_sum3A_148 = vector.multi_reduction <add>, %select_n3A_146, %reduce_sum3A_147 [1] : vector<128x128xf32> to vector<128xf32>
      %broadcast_in_dim3A_149 = vector.shape_cast %reduce_sum3A_148 : vector<128xf32> to vector<128x1xf32>
      %get3A_150 = arith.constant 896 : index
      %get3A_151 = arith.constant 0 : index
      %get3A_152 = vector.load %arg2[%get3A_150, %get3A_151] : memref<1024x128xf32, #tpu.memory_space<vmem>>, vector<128x128xf32>
      %get3A_153 = arith.constant 896 : index
      %get3A_154 = arith.constant 0 : index
      %get3A_155 = vector.load %arg3[%get3A_153, %get3A_154] : memref<1024x128xf32, #tpu.memory_space<vmem>>, vector<128x128xf32>
      %dot_general3A_156 = arith.constant dense<0.000000e+00> : vector<128x128xf32>
      %dot_general3A_157 = tpu.matmul %get3A_152, %get3A_155, %dot_general3A_156 {dimension_numbers = #tpu.dot_dimension_numbers<[1], [1], [0], [0], [0, 0, 1, 0], [], []>, transpose_lhs_hint = false} : vector<128x128xf32>, vector<128x128xf32>, vector<128x128xf32> -> vector<128x128xf32>
      %eq3A_158 = arith.cmpi eq, %iota3A_44, %iota3A_45 : vector<128x128xi32>
      %jit3A_159 = arith.constant 0.000000e+00 : f32
      %broadcast_in_dim3A_160 = vector.broadcast %jit3A_159 : f32 to vector<128x128xf32>
      %select_n3A_161 = arith.select %eq3A_158, %dot_general3A_157, %broadcast_in_dim3A_160 : vector<128x128xi1>, vector<128x128xf32>
      %reduce_sum3A_162 = arith.constant dense<0.000000e+00> : vector<128xf32>
      %reduce_sum3A_163 = vector.multi_reduction <add>, %select_n3A_161, %reduce_sum3A_162 [1] : vector<128x128xf32> to vector<128xf32>
      %broadcast_in_dim3A_164 = vector.shape_cast %reduce_sum3A_163 : vector<128xf32> to vector<128x1xf32>
      %concatenate3A = tpu.concatenate %broadcast_in_dim3A_59, %broadcast_in_dim3A_74, %broadcast_in_dim3A_89, %broadcast_in_dim3A_104, %broadcast_in_dim3A_119, %broadcast_in_dim3A_134, %broadcast_in_dim3A_149, %broadcast_in_dim3A_164 in 0 : vector<128x1xf32>, vector<128x1xf32>, vector<128x1xf32>, vector<128x1xf32>, vector<128x1xf32>, vector<128x1xf32>, vector<128x1xf32>, vector<128x1xf32> -> vector<1024x1xf32>
      %bitcast_convert_type3A = tpu.bitcast %concatenate3A : vector<1024x1xf32> -> vector<1024x1xi32>
      %gt3A_165 = arith.constant 0.000000e+00 : f32
      %gt3A_166 = vector.broadcast %gt3A_165 : f32 to vector<1024x1xf32>
      %gt3A_167 = arith.cmpf ogt, %concatenate3A, %gt3A_166 : vector<1024x1xf32>
      %sub3A = arith.constant 1 : i32
      %sub3A_168 = vector.broadcast %sub3A : i32 to vector<1024x1xi32>
      %sub3A_169 = arith.subi %bitcast_convert_type3A, %sub3A_168 : vector<1024x1xi32>
      %lt3A_170 = arith.constant 0.000000e+00 : f32
      %lt3A_171 = vector.broadcast %lt3A_170 : f32 to vector<1024x1xf32>
      %lt3A_172 = arith.cmpf olt, %concatenate3A, %lt3A_171 : vector<1024x1xf32>
      %add3A_173 = arith.constant 1 : i32
      %add3A_174 = vector.broadcast %add3A_173 : i32 to vector<1024x1xi32>
      %add3A_175 = arith.addi %bitcast_convert_type3A, %add3A_174 : vector<1024x1xi32>
      %jit3A_176 = arith.constant -2147483647 : i32
      %broadcast_in_dim3A_177 = vector.broadcast %jit3A_176 : i32 to vector<1024x1xi32>
      %select_n3A_178 = arith.select %lt3A_172, %add3A_175, %broadcast_in_dim3A_177 : vector<1024x1xi1>, vector<1024x1xi32>
      %select_n3A_179 = arith.select %gt3A_167, %sub3A_169, %select_n3A_178 : vector<1024x1xi1>, vector<1024x1xi32>
      %swap3A_180 = arith.constant 0 : index
      %swap3A_181 = arith.constant 0 : index
      %swap3A_182 = vector.load %arg7[%swap3A_180, %swap3A_181] : memref<1024x1xf32, #tpu.memory_space<vmem>>, vector<1024x1xf32>
      tpu.vector_store %arg7[%swap3A_180, %swap3A_181], %concatenate3A {strides = array<i32>} : memref<1024x1xf32, #tpu.memory_space<vmem>>, vector<1024x1xf32>,
      %bitcast_convert_type3A_183 = tpu.bitcast %select_n3A_179 : vector<1024x1xi32> -> vector<1024x1xf32>
      %swap3A_184 = arith.constant 0 : index
      %swap3A_185 = arith.constant 0 : index
      %swap3A_186 = vector.load %arg8[%swap3A_184, %swap3A_185] : memref<1024x1xf32, #tpu.memory_space<vmem>>, vector<1024x1xf32>
      tpu.vector_store %arg8[%swap3A_184, %swap3A_185], %bitcast_convert_type3A_183 {strides = array<i32>} : memref<1024x1xf32, #tpu.memory_space<vmem>>, vector<1024x1xf32>,
    } else {
    }
    %get3A = arith.constant 0 : index
    %get3A_2 = arith.constant 0 : index
    %get3A_3 = vector.load %arg2[%get3A, %get3A_2] : memref<1024x128xf32, #tpu.memory_space<vmem>>, vector<1024x128xf32>
    %get3A_4 = arith.constant 0 : index
    %get3A_5 = arith.constant 0 : index
    %get3A_6 = vector.load %arg5[%get3A_4, %get3A_5] : memref<10000x128xf32, #tpu.memory_space<vmem>>, vector<10000x128xf32>
    %dot_general3A = arith.constant dense<0.000000e+00> : vector<1024x10000xf32>
    %dot_general3A_7 = tpu.matmul %get3A_3, %get3A_6, %dot_general3A {dimension_numbers = #tpu.dot_dimension_numbers<[1], [1], [0], [0], [0, 0, 1, 0], [], []>, transpose_lhs_hint = false} : vector<1024x128xf32>, vector<10000x128xf32>, vector<1024x10000xf32> -> vector<1024x10000xf32>
    %get3A_8 = arith.constant 0 : index
    %get3A_9 = arith.constant 0 : index
    %get3A_10 = vector.load %arg4[%get3A_8, %get3A_9] : memref<1024x1xi32, #tpu.memory_space<vmem>>, vector<1024x1xi32>
    %mul3A = arith.constant 10000 : i32
    %mul3A_11 = arith.muli %arg1, %mul3A : i32
    %iota3A = tpu.iota {dimensions = array<i32: 1>} : vector<1024x10000xi32>
    %add3A = vector.broadcast %mul3A_11 : i32 to vector<1024x10000xi32>
    %add3A_12 = arith.addi %add3A, %iota3A : vector<1024x10000xi32>
    %lt3A = vector.broadcast %get3A_10 : vector<1024x1xi32> to vector<1024x10000xi32>
    %lt3A_13 = arith.cmpi slt, %add3A_12, %lt3A : vector<1024x10000xi32>
    %get3A_14 = arith.constant 0 : index
    %get3A_15 = arith.constant 0 : index
    %get3A_16 = vector.load %arg8[%get3A_14, %get3A_15] : memref<1024x1xf32, #tpu.memory_space<vmem>>, vector<1024x1xf32>
    %get3A_17 = arith.constant 0 : index
    %get3A_18 = arith.constant 0 : index
    %get3A_19 = vector.load %arg7[%get3A_17, %get3A_18] : memref<1024x1xf32, #tpu.memory_space<vmem>>, vector<1024x1xf32>
    %broadcast_in_dim3A = vector.shape_cast %get3A_16 : vector<1024x1xf32> to vector<1024x1xf32>
    %broadcast_in_dim3A_20 = vector.broadcast %broadcast_in_dim3A : vector<1024x1xf32> to vector<1024x10000xf32>
    %broadcast_in_dim3A_21 = vector.shape_cast %get3A_19 : vector<1024x1xf32> to vector<1024x1xf32>
    %broadcast_in_dim3A_22 = vector.broadcast %broadcast_in_dim3A_21 : vector<1024x1xf32> to vector<1024x10000xf32>
    %select_n3A = arith.select %lt3A_13, %broadcast_in_dim3A_20, %broadcast_in_dim3A_22 : vector<1024x10000xi1>, vector<1024x10000xf32>
    %gt3A = arith.cmpf ogt, %dot_general3A_7, %select_n3A : vector<1024x10000xf32>
    %convert_element_type3A_23 = arith.extui %gt3A : vector<1024x10000xi1> to vector<1024x10000xi32>
    %convert_element_type3A_24 = arith.sitofp %convert_element_type3A_23 : vector<1024x10000xi32> to vector<1024x10000xf32>
    %reduce_sum3A = arith.constant dense<0.000000e+00> : vector<1024xf32>
    %reduce_sum3A_25 = vector.multi_reduction <add>, %convert_element_type3A_24, %reduce_sum3A [1] : vector<1024x10000xf32> to vector<1024xf32>
    %broadcast_in_dim3A_26 = vector.shape_cast %reduce_sum3A_25 : vector<1024xf32> to vector<1024x1xf32>
    %eq3A_27 = arith.constant 0 : i32
    %eq3A_28 = arith.cmpi eq, %arg1, %eq3A_27 : i32
    %get3A_29 = arith.constant 0 : index
    %get3A_30 = arith.constant 0 : index
    %get3A_31 = vector.load %arg6[%get3A_29, %get3A_30] : memref<1024x1xf32, #tpu.memory_space<vmem>>, vector<1024x1xf32>
    %add3A_32 = arith.addf %get3A_31, %broadcast_in_dim3A_26 : vector<1024x1xf32>
    %select_n3A_33 = arith.select %eq3A_28, %broadcast_in_dim3A_26, %add3A_32 : vector<1024x1xf32>
    %eq3A_34 = arith.constant 9 : i32
    %eq3A_35 = arith.cmpi eq, %arg1, %eq3A_34 : i32
    %lt3A_36 = arith.constant 5.000000e+00 : f32
    %lt3A_37 = vector.broadcast %lt3A_36 : f32 to vector<1024x1xf32>
    %lt3A_38 = arith.cmpf olt, %select_n3A_33, %lt3A_37 : vector<1024x1xf32>
    %convert_element_type3A_39 = arith.extui %lt3A_38 : vector<1024x1xi1> to vector<1024x1xi32>
    %convert_element_type3A_40 = arith.sitofp %convert_element_type3A_39 : vector<1024x1xi32> to vector<1024x1xf32>
    %select_n3A_41 = arith.select %eq3A_35, %convert_element_type3A_40, %select_n3A_33 : vector<1024x1xf32>
    %swap3A = arith.constant 0 : index
    %swap3A_42 = arith.constant 0 : index
    %swap3A_43 = vector.load %arg6[%swap3A, %swap3A_42] : memref<1024x1xf32, #tpu.memory_space<vmem>>, vector<1024x1xf32>
    tpu.vector_store %arg6[%swap3A, %swap3A_42], %select_n3A_41 {strides = array<i32>} : memref<1024x1xf32, #tpu.memory_space<vmem>>, vector<1024x1xf32>,
    return
  }
  func.func @transform_0(%arg0: i32, %arg1: i32) -> (i32, i32) {
    %c0_i32 = arith.constant 0 : i32
    %c0_i32_0 = arith.constant 0 : i32
    return %arg0, %c0_i32 : i32, i32
  }
  func.func @transform_1(%arg0: i32, %arg1: i32) -> (i32, i32) {
    %c0_i32 = arith.constant 0 : i32
    %c0_i32_0 = arith.constant 0 : i32
    return %arg0, %c0_i32 : i32, i32
  }
  func.func @transform_2(%arg0: i32, %arg1: i32) -> (i32, i32) {
    %c0_i32 = arith.constant 0 : i32
    %c0_i32_0 = arith.constant 0 : i32
    return %arg0, %c0_i32 : i32, i32
  }
  func.func @transform_3(%arg0: i32, %arg1: i32) -> (i32, i32) {
    %c0_i32 = arith.constant 0 : i32
    %c0_i32_0 = arith.constant 0 : i32
    return %arg1, %c0_i32 : i32, i32
  }
  func.func @transform_4(%arg0: i32, %arg1: i32) -> (i32, i32) {
    %c0_i32 = arith.constant 0 : i32
    %c0_i32_0 = arith.constant 0 : i32
    return %arg0, %c0_i32 : i32, i32
  }
}

</mosaic_0001>

<sc_bundles>
// kernel: kernel.4.cloned.1.call-start
scs
__scs_entry_jumppad:
0x0: {  	(pc) =	sbr.rel $0x88, $3  }
0x1: {  	(tag) =	ssettag $0x0;
	lr =	simm.s32 $0x1  }
0x2: {  	[smem:$0x3F9E] =	sst lr;
	_ =	strace $0xD0000000  }
0x3: {  	_ = 	snop  }
0x4: {  	_ = 	snop  }
0x5: {  	_ = 	snop  }
0x6: {  	_ = 	snop  }
0x7: {  	_ = 	snop  }
__scs_overlays_trampoline_lowered:
0x8: {  	[smem:$0x3FAD] =	sst s0  }
0x9: {  	[smem:$0x3FAE] =	sst s1  }
0xa: {  	[smem:$0x3FAF] =	sst s2  }
0xb: {  	[smem:$0x3FB0] =	sst s3  }
0xc: {  	[smem:$0x3FB1] =	sst s4  }
0xd: {  	[smem:$0x3FB2] =	sst s5  }
0xe: {  	[smem:$0x3FB3] =	sst s6  }
0xf: {  	[smem:$0x3FB4] =	sst s7  }
0x10: {  	[smem:$0x3FB5] =	sst s8  }
0x11: {  	[smem:$0x3FB6] =	sst s9;
	s0 =	simm.s32 @!p0 $0x0  }
0x12: {  	s1 =	sld [smem:$0x3F9C];
	s0 =	simm.s32 @p0 $0x1  }
0x13: {  	[smem:$0x3FB7] =	sst s0;
	s0 =	simm.s32 @!p1 $0x0  }
0x14: {  	s2 =	sld [smem:$0x3F9B];
	s0 =	simm.s32 @p1 $0x1  }
0x15: {  	[smem:$0x3FB8] =	sst s0;
	s0 =	simm.s32 @!p2 $0x0  }
0x16: {  	s3 =	sld [smem:$0x3FDB];
	s0 =	simm.s32 @p2 $0x1  }
0x17: {  	s4 =	simm.s32 $0x1BF5;
	[smem:$0x3FBA] =	sst s0  }
0x18: {  	s0 =	sld [smem:$0x3F9D];
	_ =	swait.ge [sflag:s4], $0x0  }
0x19: {  	s7 =	sld [smem:$0x3F9E]  }
0x1a: {  	s8 =	sadd.s32 $0xFFFFE003, lr  }
0x1b: {  	s9 =	sadd.s32 $0xFFFFFEF7, lr;
	s5 =	simm.s32 $0xFFFFFFFF;
	p2 =	slt.u32 s8, $0xFFFFF086  }
0x1c: {  	p1 =	slt.u32 s9, $0xF7A;
	s5 =	simm.s32 @!p2 $0x0  }
0x1d: {  	s5 =	simm.s32 @p1 $0x1;
	p0 =	seq.s32 s7, s2  }
0x1e: {  	s7 =	smul.u32 @!p0 $0xF7A, s2;
	p2 =	seq.s32 @!p0 s5, $0x0  }
0x1f: {  	s9 =	smul.u32 $0xF7A, s1;
	s8 =	simm.s32 @!p0 $0x1BF5;
	p2 =	por !p2, p0  }
0x20: {  	[sflag:s8] =	ssyncset.s32 @!p0 $0xFFFFF086;
	s6 =	sadd.s32 @!p0 s3, s7;
	s7 =	simm.s32 @!p0 $0x108  }
0x21: {  	s3 =	sadd.s32 s3, s9;
	s6 =	sadd.s32 @!p0 $0x88, s6;
	s7 =	simm.s32 @p2 $0x1082  }
0x22: {  	[simem:s7], [sflag:s8] =	dma.local @!p0 [hbm:s6], $0xF7A  }
0x23: {  	s9 =	sor.u32 $0xD0000000, s2;
	s6 =	simm.s32 $0x108;
	_ =	swait.ge @!p0 [sflag:s8], $0x0  }
0x24: {  	s3 =	sadd.s32 $0x88, s3;
	s6 =	simm.s32 @!p1 $0x1082;
	[sflag:s4] =	ssyncset.s32 $0xFFFFF086  }
0x25: {  	[simem:s6], [sflag:s4] =	dma.local [hbm:s3], $0xF7A  }
0x26: {  	[smem:$0x3F9E] =	sst s1;
	(tag) =	ssettag s2;
	_ =	strace s9  }
0x27: {  	s1 =	sld [smem:$0x3FAE]  }
0x28: {  	s2 =	sld [smem:$0x3FAF]  }
0x29: {  	s4 =	sld [smem:$0x3FB1]  }
0x2a: {  	p0 =	seq.s32 s5, $0x0;
	s5 =	sld [smem:$0x3FB2]  }
0x2b: {  	s6 =	sld [smem:$0x3FB3]  }
0x2c: {  	s7 =	sld [smem:$0x3FB4]  }
0x2d: {  	s3 =	simm.s32 $0x108;
	s8 =	sld [smem:$0x3FB5]  }
0x2e: {  	s3 =	simm.s32 @!p0 $0x1082;
	s9 =	sld [smem:$0x3FB6]  }
0x2f: {  	lr =	sadd.s32 s0, s3;
	s0 =	sld [smem:$0x3FAD]  }
0x30: {  	s3 =	sld [smem:$0x3FB0]  }
0x31: {  	[smem:$0x3FB9] =	sst s10  }
0x32: {  	s10 =	sld [smem:$0x3FB7];
	_ =	sdelay $0x3  }
0x33: {  	p0 =	seq.s32 s10, $0x1;
	s10 =	sld [smem:$0x3FB9];
	_ =	sdelay $0x3  }
0x34: {  	[smem:$0x3FB9] =	sst s10  }
0x35: {  	s10 =	sld [smem:$0x3FB8];
	_ =	sdelay $0x3  }
0x36: {  	p1 =	seq.s32 s10, $0x1;
	s10 =	sld [smem:$0x3FB9];
	_ =	sdelay $0x3  }
0x37: {  	[smem:$0x3FB9] =	sst s10  }
0x38: {  	s10 =	sld [smem:$0x3FBA]  }
0x39: {  	_ = 	snop;
	(pc) =	sbr.ind lr, $3  }
0x3a: {  	_ = 	snop  }
0x3b: {  	_ = 	snop  }
0x3c: {  	p2 =	seq.s32 s10, $0x1;
	s10 =	sld [smem:$0x3FB9]  }
0x3d: {  	_ =	shalt  }
0x3e: {  	_ =	shalt  }
0x3f: {  	_ =	shalt  }
0x40: {  	_ =	shalt  }
0x41: {  	_ =	shalt  }
0x42: {  	_ =	shalt  }
0x43: {  	_ =	shalt  }
0x44: {  	_ =	shalt  }
0x45: {  	_ =	shalt  }
0x46: {  	_ =	shalt  }
0x47: {  	_ =	shalt  }
0x48: {  	_ =	shalt  }
0x49: {  	_ =	shalt  }
0x4a: {  	_ =	shalt  }
0x4b: {  	_ =	shalt  }
0x4c: {  	_ =	shalt  }
0x4d: {  	_ =	shalt  }
0x4e: {  	_ =	shalt  }
0x4f: {  	_ =	shalt  }
0x50: {  	_ =	shalt  }
0x51: {  	_ =	shalt  }
0x52: {  	_ =	shalt  }
0x53: {  	_ =	shalt  }
0x54: {  	_ =	shalt  }
0x55: {  	_ =	shalt  }
0x56: {  	_ =	shalt  }
0x57: {  	_ =	shalt  }
0x58: {  	_ =	shalt  }
0x59: {  	_ =	shalt  }
0x5a: {  	_ =	shalt  }
0x5b: {  	_ =	shalt  }
0x5c: {  	_ =	shalt  }
0x5d: {  	_ =	shalt  }
0x5e: {  	_ =	shalt  }
0x5f: {  	_ =	shalt  }
0x60: {  	_ =	shalt  }
0x61: {  	_ =	shalt  }
0x62: {  	_ =	shalt  }
0x63: {  	_ =	shalt  }
0x64: {  	_ =	shalt  }
0x65: {  	_ =	shalt  }
0x66: {  	_ =	shalt  }
0x67: {  	_ =	shalt  }
0x68: {  	_ =	shalt  }
0x69: {  	_ =	shalt  }
0x6a: {  	_ =	shalt  }
0x6b: {  	_ =	shalt  }
0x6c: {  	_ =	shalt  }
0x6d: {  	_ =	shalt  }
0x6e: {  	_ =	shalt  }
0x6f: {  	_ =	shalt  }
0x70: {  	_ =	shalt  }
0x71: {  	_ =	shalt  }
0x72: {  	_ =	shalt  }
0x73: {  	_ =	shalt  }
0x74: {  	_ =	shalt  }
0x75: {  	_ =	shalt  }
0x76: {  	_ =	shalt  }
0x77: {  	_ =	shalt  }
0x78: {  	_ =	shalt  }
0x79: {  	_ =	shalt  }
0x7a: {  	_ =	shalt  }
0x7b: {  	_ =	shalt  }
0x7c: {  	_ =	shalt  }
0x7d: {  	_ =	shalt  }
0x7e: {  	_ =	shalt  }
0x7f: {  	_ =	shalt  }
0x80: {  	_ =	shalt  }
0x81: {  	_ =	shalt  }
0x82: {  	_ =	shalt  }
0x83: {  	_ =	shalt  }
0x84: {  	_ =	shalt  }
0x85: {  	_ =	shalt  }
0x86: {  	_ =	shalt  }
0x87: {  	_ =	shalt  }
.Lfunc_end0:
.L_simem_size_0:
called_computation_lowered:
.L_overlay_start_0:
0x88: {  	s2 =	sld [smem:$0x3FD9]  }
0x89: {  	s3 =	sld [smem:$0x3FFE];
	_ =	sdelay $0x1  }
0x8a: {  	s1 =	srdreg.scid  }
0x8b: {  	s0 =	sand.u32 $0x1, s1  }
0x8c: {  	s17 =	sshll.u32 s0, $0xA;
	s2 =	sadd.s32 s3, s2  }
0x8d: {  	s2 =	sadd.s32 s2, s17  }
0x8e: {  	[smem:$0x3FC5] =	sst s2  }
0x8f: {  	_ = 	snop  }
0x90: {  	s2 =	sld [smem:$0x3FC8]  }
0x91: {  	s18 =	sld [smem:$0x3FC7];
	(tm) =	ssettm $0x1  }
0x92: {  	s4 =	sld [smem:$0x3FFB];
	_ =	sdelay $0x3  }
0x93: {  	_ =	strace s4  }
0x94: {  	s4 =	sld [smem:$0x3FFC];
	_ =	sdelay $0x3  }
0x95: {  	_ =	strace s4  }
0x96: {  	s4 =	sld [smem:$0x3FFD];
	_ =	sdelay $0x3  }
0x97: {  	_ =	strace s4  }
0x98: {  	_ =	strace $0x8FFFFFFF  }
0x99: {  	s19 =	sld [smem:$0x3FDB];
	_ =	sdelay $0x1  }
0x9a: {  	s5 =	simm.s32 $_scs_section_size  }
0x9b: {  	s6 =	simm.s32 $_size__tile_overlayer_lowered;
	s7 =	simm.s32 $_tile_overlayer_lowered  }
0x9c: {  	s22 =	simm.s32 $0x1BFF;
	s21 =	sshll.u32 s7, $0x1;
	s4 =	sadd.s32 s5, s19  }
0x9d: {  	s8 =	simm.s32 $0x0;
	s20 =	sshll.u32 s6, $0x1;
	s6 =	sadd.s32 s21, s4  }
0x9e: {  	[timem:s8], [sflag:s22] =	dma.local [hbm:s6], s20  }
0x9f: {  	_ =	swait.ge [sflag:s22], s20  }
0xa0: {  	s5 =	ssub.s32 $0x0, s20;
	[sflag:s22] =	ssyncset.done $0x0  }
0xa1: {  	[sflag:s22] =	ssyncadd.s32 s5;
	_ =	sdelay $0x1  }
0xa2: {  	s23 =	simm.s32 $0x1B8B  }
0xa3: {  	_ =	swait.ge [sflag:s23], $0x1  }
0xa4: {  	[sflag:s23] =	ssyncset.done $0x0  }
0xa5: {  	s25 =	simm.s32 $0x1B8E;
	s24 =	sld [smem:$0x3FFE];
	[sflag:s23] =	ssyncadd.s32 $0xFFFFFFFF  }
0xa6: {  	s26 =	simm.s32 $execute0_lowered;
	[smem:$0x3FD2] =	sst s25  }
0xa7: {  	s6 =	sshll.u32 s26, $0x1;
	_ =	strace $0x80000046;
	[dreg:$0x1] =	wrdreg $0xFFFFFFFF  }
0xa8: {  	s28 =	simm.s32 $_size_execute0_lowered;
	s4 =	sadd.s32 s4, s6;
	[dreg:$0x0] =	wrdreg $0x0  }
0xa9: {  	s6 =	sshll.u32 s28, $0x1;
	[dreg:$0x2] =	wrdreg s4  }
0xaa: {  	[dreg:$0x3] =	wrdreg s6  }
0xab: {  	[dreg:$0x4] =	wrdreg $0xC0  }
0xac: {  	_ =	task [dreg:s8], $0x5FFFF  }
0xad: {  	[dreg:$0x1] =	wrdreg $0xFFFFFFFF  }
0xae: {  	[dreg:$0x0] =	wrdreg $0x60  }
0xaf: {  	[dreg:$0x2] =	wrdreg s18  }
0xb0: {  	[dreg:$0x3] =	wrdreg s2  }
0xb1: {  	[dreg:$0x4] =	wrdreg s24  }
0xb2: {  	[dreg:$0x5] =	wrdreg $0x9  }
0xb3: {  	_ =	task.clear_ibuf [dreg:s8], $0x6FFFF;
	_ =	strace $0x90000046  }
0xb4: {  	s29 =	simm.s32 $0x9;
	_ =	strace $0x80000048  }
0xb5: {  	_ =	swait.ge [sflag:s29], $0x1  }
0xb6: {  	[sflag:s29] =	ssyncadd.s32 $0xFFFFFFFF  }
0xb7: {  	_ =	strace $0x90000048  }
0xb8: {  	_ =	sfence  }
0xb9: {  	s30 =	sld [smem:$0x0];
	_ =	sdelay $0x2  }
0xba: {  	s31 =	sshll.u32 s1, $0xD;
	s1 =	sshrl.u32 s1, $0x2  }
0xbb: {  	s3 =	sand.u32 $0x4000, s31;
	s1 =	sadd.s32 s1, s30  }
0xbc: {  	s0 =	sor.u32 s3, s0;
	s1 =	sshll.u32 s1, $0x11  }
0xbd: {  	s0 =	sor.u32 s1, s0  }
0xbe: {  	s0 =	sadd.s32 $0x8F2B, s0  }
0xbf: {  	[sflag:s0] =	ssyncadd.remote.s32 $0x1  }
0xc0: {  	_ =	sfence.sel $0xFFFF  }
0xc1: {  	[dreg:$0x0] =	wrdreg $0xFFFFFFFF;
	(pc) =	sbr.abs _section_cstart, $3  }
0xc2: {  	[dreg:$0x1] =	wrdreg $0xFFFFFFFF  }
0xc3: {  	_ =	task.clear_ibuf [dreg:s8], $0x2FFFF;
	_ =	strace $0x9FFFFFFF  }
0xc4: {  	(tm) =	ssettm $0x7FFFFFFF  }
0xc5: {  	_ =	shalt  }
tec
execute0_lowered:
.L_overlay_start_1:
0x0: {  	(tag) =	ssettag $0x1  }
0x1: {  	s1 =	rddreg [dreg:$0x0];
	s2 =	srdreg.scid  }
0x2: {  	s4 =	rddreg [dreg:$0x1];
	s0 =	stileid.u32  }
0x3: {  	s8 =	rddreg [dreg:$0x2];
	s3 =	simm.s32 $0x0;
	s6 =	sand.u32 $0x1, s2  }
0x4: {  	s5 =	sshll.u32 s0, $0x8;
	s2 =	rddreg [dreg:$0x3];
	s7 =	sshll.u32 s6, $0x7  }
0x5: {  	[smem:$0x7FF] =	sst s3;
	s9 =	sor.u32 s7, s5  }
0x6: {  	_ =	strace $0x80000047;
	s10 =	ssub.s32 $0x2, s6;
	s5 =	sshrl.u32 s9, $0x3  }
0x7: {  	s6 =	simm.s32 $0x80;
	s5 =	sadd.s32 s4, s5;
	s4 =	simm.s32 $0x2  }
0x8: {  	[tilespmem:s3], [sflag:$0x2] =	stream.linear.gather [hbm4b:s5+s3], $0x80, $0x38;
	[tilespmem:$0x4080] =	vst v63  }
0x9: {  	s7 =	simm.s32 $0x1;
	s11 =	sshrl.u32 s10, $0x1;
	_ =	swait.ge [sflag:s4], $0x80  }
0xa: {  	s9 =	sshll.u32 s9, $0x4;
	s31 =	ssub.s32 s10, s11;
	[sflag:s4] =	ssyncset.done $0x0  }
0xb: {  	s8 =	sadd.s32 s9, s8;
	s9 =	smax.u32 s31, $0x1;
	[sflag:s4] =	ssyncadd.s32 $0xFFFFFF80  }
0xc: {  	[tilespmem:s6], [sflag:$0x1] =	stream.indirect.gather [hbm4b:s1+s6], $0x80, s3, s6, $0xb8;
	[tilespmem:$0x4080] =	vst v63  }
0xd: {  	p0 =	sne.s32 s9, $0x1;
	_ =	swait.ge [sflag:s7], $0x4000  }
.Ltmp0:
0xe: {  	[sflag:s7] =	ssyncset.done $0x0;
	(pc) =	sbr.rel @!p0 .LBB2_2-.Ltmp0, $4  }
0xf: {  	s8 =	sadd.s32 $0x600, s8;
	[sflag:s7] =	ssyncadd.s32 $0xFFFFC000  }
0x10: {  	[hbm4b:s8+s3] =	stream.linear.scatter [tilespmem:s6], [sflag:$0x2], $0x4000, $0x38;
	[tilespmem:$0x4080] =	vst v63  }
0x11: {  	_ =	swait.ge [sflag:s4], $0x4000  }
0x12: {  	s9 =	sadd.s32 $0xFFFFFFFF, s9;
	[sflag:s4] =	ssyncset.done $0x0  }
.LBB2_1:
0x13: {  	p0 =	sne.s32 s9, $0x1;
	s9 =	sadd.s32 $0xFFFFFFFF, s9;
	[sflag:s4] =	ssyncadd.s32 $0xFFFFC000  }
0x14: {  	[tilespmem:s3], [sflag:$0x2] =	stream.linear.gather [hbm4b:s5+s3], $0x80, $0x38;
	[tilespmem:$0x4080] =	vst v63  }
0x15: {  	_ =	swait.ge [sflag:s4], $0x80  }
0x16: {  	[sflag:s4] =	ssyncset.done $0x0  }
0x17: {  	[sflag:s4] =	ssyncadd.s32 $0xFFFFFF80  }
0x18: {  	[tilespmem:s6], [sflag:$0x1] =	stream.indirect.gather [hbm4b:s1+s6], $0x80, s3, s6, $0xb8;
	[tilespmem:$0x4080] =	vst v63  }
0x19: {  	_ =	swait.ge [sflag:s7], $0x4000  }
.Ltmp1:
0x1a: {  	[sflag:s7] =	ssyncset.done $0x0;
	(pc) =	sbr.rel @p0 .LBB2_1-.Ltmp1, $4  }
0x1b: {  	[sflag:s7] =	ssyncadd.s32 $0xFFFFC000  }
0x1c: {  	[hbm4b:s8+s3] =	stream.linear.scatter [tilespmem:s6], [sflag:$0x2], $0x4000, $0x38;
	[tilespmem:$0x4080] =	vst v63  }
0x1d: {  	_ =	swait.ge [sflag:s4], $0x4000  }
0x1e: {  	[sflag:s4] =	ssyncset.done $0x0  }
.LBB2_2:
0x1f: {  	[sflag:s4] =	ssyncadd.s32 $0xFFFFC000  }
0x20: {  	_ =	sfence.sel $0x180000  }
0x21: {  	[bflag:$0x0] =	sbarrier.arrive $0xFFFF  }
0x22: {  	p0 =	sne.s32 s0, $0x0;
	_ =	strace $0x90000047  }
0x23: {  	s0 =	sadd.s32 @!p0 $0x100000, s2;
	[bflag:$0x2] =	sbarrier.arrive $0xFFFF  }
0x24: {  	[sflag:s0] =	ssyncadd.tile.s32 @!p0 $0x1;
	_ =	shalt  }
.Lfunc_end2:
_tile_overlayer_lowered:
.L_overlay_start_2:
0x25: {  	(tag) =	ssettag $0x2  }
0x26: {  	s0 =	rddreg [dreg:$0x0];
	s2 =	stileid.u32  }
0x27: {  	s1 =	rddreg [dreg:$0x1];
	p0 =	sne.s32 s2, $0x0  }
0x28: {  	s3 =	rddreg [dreg:$0x2];
	[bflag:$0x3] =	sbarrier.arrive $0xFFFF;
	s2 =	simm.s32 @!p0 $0x1C02  }
0x29: {  	[timem:s3], [sflag:s2] =	dma.local @!p0 [hbm:s0], s1  }
0x2a: {  	s0 =	simm.s32 @!p0 $0x2  }
0x2b: {  	_ =	swait.ge @!p0 [sflag:s0], s1  }
0x2c: {  	s1 =	ssub.s32 @!p0 $0x0, s1;
	[sflag:s0] =	ssyncset.done @!p0 $0x0  }
0x2d: {  	[sflag:s0] =	ssyncadd.s32 @!p0 s1  }
0x2e: {  	[bflag:$0x3] =	sbarrier.arrive $0xFFFF  }
0x2f: {  	_ =	shalt  }

</sc_bundles>
